<compile_context>
chip_gen: v7x
topology: tpu7x:2x2x1
jax: 0.10.2.dev20260603
libtpu: 0.0.44.dev20260713+nightly
codegen_flags: <defaults>
</compile_context>

<pallas_src>
import jax
import jax.numpy as jnp
from jax import lax
from jax.experimental import pallas as pl
from jax.experimental.pallas import tpu as pltpu
from jax.experimental.pallas import tpu_sc as plsc

_B, _L = 16, 2048
_LANES = 16
_CHUNKS = _L // _LANES


def _split_roll_body(ids_hbm, tt_hbm, out1_hbm, out2_hbm,
                     ids_v, tt_v, out1_v, in2_v, out2_v, acc_v, sem1, sem2):
    wid = lax.axis_index("s")

    cpa = pltpu.make_async_copy(ids_hbm.at[wid], ids_v, sem1)
    cpb = pltpu.make_async_copy(tt_hbm.at[wid], tt_v, sem2)
    cpa.start()
    cpb.start()
    cpa.wait()
    cpb.wait()
    acc_v[...] = jnp.zeros((_LANES,), jnp.int32)

    def pass1(j, carry):
        base = j * _LANES
        ids = ids_v[pl.ds(base, _LANES)]
        tt = tt_v[pl.ds(base, _LANES)]
        m0 = jnp.logical_and(tt == 0, ids != 0)
        o1 = jnp.where(m0, ids, 0)
        out1_v[pl.ds(base, _LANES)] = o1
        i2 = ids - o1
        in2_v[pl.ds(base, _LANES)] = i2
        in2_v[pl.ds(base + _L, _LANES)] = i2
        acc_v[...] = acc_v[...] + jnp.where(m0, 1, 0)
        return carry

    lax.fori_loop(0, _CHUNKS, pass1, 0, unroll=2)
    accv = acc_v[...]
    n = accv[0]
    for lane in range(1, _LANES):
        n = n + accv[lane]

    cp1 = pltpu.make_async_copy(out1_v, out1_hbm.at[wid], sem1)
    cp1.start()

    def pass2(j, carry):
        base = j * _LANES
        out2_v[pl.ds(base, _LANES)] = in2_v[pl.ds(base + n, _LANES)]
        return carry

    half = _L // 2
    lax.fori_loop(0, _CHUNKS // 2, pass2, 0, unroll=2)
    cp2a = pltpu.make_async_copy(out2_v.at[pl.ds(0, half)],
                                 out2_hbm.at[wid, pl.ds(0, half)], sem2)
    cp2a.start()
    lax.fori_loop(_CHUNKS // 2, _CHUNKS, pass2, 0, unroll=2)
    cp2b = pltpu.make_async_copy(out2_v.at[pl.ds(half, half)],
                                 out2_hbm.at[wid, pl.ds(half, half)], sem2)
    cp2b.start()
    cp2a.wait()
    cp2b.wait()
    cp1.wait()


def kernel(l_input_ids, token_type_ids):
    mesh = plsc.VectorSubcoreMesh(core_axis_name="c", subcore_axis_name="s",
                                  num_cores=1)
    f = pl.kernel(
        _split_roll_body,
        mesh=mesh,
        out_type=(
            jax.ShapeDtypeStruct((_B, _L), jnp.int32),
            jax.ShapeDtypeStruct((_B, _L), jnp.int32),
        ),
        scratch_types=[
            pltpu.VMEM((_L,), jnp.int32),
            pltpu.VMEM((_L,), jnp.int32),
            pltpu.VMEM((_L,), jnp.int32),
            pltpu.VMEM((2 * _L,), jnp.int32),
            pltpu.VMEM((_L,), jnp.int32),
            pltpu.VMEM((_LANES,), jnp.int32),
            pltpu.SemaphoreType.DMA,
            pltpu.SemaphoreType.DMA,
        ],
    )
    return f(l_input_ids, token_type_ids)

# --- scband reference (transcript-rebuilt; emitter-appended) ---
"""Pipeline reference for scband-split-segment-id-20572893348528 (READ-ONLY COPY).

The authoritative reference and input builder live on the scoring server;
editing this copy changes nothing except your own understanding.
"""

import jax, jax.numpy as jnp
import numpy as np

B, L = 16, 2048

def setup_inputs(seed: int = 0) -> dict:
    key = jax.random.key(seed)
    k1, k2 = jax.random.split(key)
    l_input_ids = jax.random.randint(k1, (B, L), 0, 30000, dtype=jnp.int32)
    token_type_ids = jnp.sort(jax.random.randint(k2, (B, L), 0, 2, dtype=jnp.int32), axis=1)
    return {"l_input_ids": l_input_ids, "token_type_ids": token_type_ids}

def reference(l_input_ids, token_type_ids):
    # slice_segment_w_mean(0)
    mask0 = jnp.logical_and(jnp.equal(token_type_ids, 0), jnp.not_equal(l_input_ids, 0))
    input_ids1 = l_input_ids * mask0.astype(jnp.int32)
    # slice_segment_w_mean(1)
    mask1 = jnp.logical_and(jnp.equal(token_type_ids, 1), jnp.not_equal(l_input_ids, 0))
    input_ids2 = l_input_ids * mask1.astype(jnp.int32)
    # per-row left-shift count = number of nonzero segment-0 tokens
    n_shift = jnp.sum(jnp.not_equal(input_ids1, 0).astype(jnp.int32), axis=1)
    # tf.map_fn(roll(x[:-1], shift=-n_shift)) -> vmapped dynamic roll per row
    input_ids2_r = jax.vmap(lambda row, s: jnp.roll(row, -s, axis=0))(input_ids2, n_shift)
    return (input_ids1, input_ids2_r)

if __name__ == "__main__":
    import jax
    _d = setup_inputs()
    print(jax.jit(kernel)(*tuple(_d.values())))

</pallas_src>

<mosaic_0001>
#map = affine_map<(d0, d1) -> (0, 0)>
module attributes {stable_mosaic.version = 14 : i64} {
  func.func @_split_roll_body(%arg0: i32, %arg1: i32, %arg2: memref<16x2048xi32, #tpu.memory_space<hbm>>, %arg3: memref<16x2048xi32, #tpu.memory_space<hbm>>, %arg4: memref<16x2048xi32, #tpu.memory_space<hbm>>, %arg5: memref<16x2048xi32, #tpu.memory_space<hbm>>, %arg6: memref<2048xi32, #tpu.memory_space<vmem>>, %arg7: memref<2048xi32, #tpu.memory_space<vmem>>, %arg8: memref<2048xi32, #tpu.memory_space<vmem>>, %arg9: memref<4096xi32, #tpu.memory_space<vmem>>, %arg10: memref<2048xi32, #tpu.memory_space<vmem>>, %arg11: memref<16xi32, #tpu.memory_space<vmem>>, %arg12: memref<!tpu.dma_semaphore, #tpu.memory_space<semaphore_mem>>, %arg13: memref<!tpu.dma_semaphore, #tpu.memory_space<semaphore_mem>>) attributes {dimension_semantics = [#tpu.dimension_semantics<core_parallel>, #tpu.dimension_semantics<subcore_parallel>], iteration_bounds = array<i64: 1, 16>, scalar_prefetch = 0 : i64, scratch_operands = 8 : i64, tpu.core_type = #tpu.core_type<sc_vector_subcore>, window_params = [{transform_indices = #map}, {transform_indices = #map}, {transform_indices = #map}, {transform_indices = #map}]} {
    %dma_start3A = arith.constant 0 : i32
    %dma_start3A_0 = tpu.memref_slice %arg2[%arg1, %dma_start3A] : memref<16x2048xi32, #tpu.memory_space<hbm>> -> memref<1x2048xi32, #tpu.memory_space<hbm>>
    %dma_start3A_1 = tpu.memref_squeeze %dma_start3A_0 : memref<1x2048xi32, #tpu.memory_space<hbm>> -> memref<2048xi32, #tpu.memory_space<hbm>>
    %dma_start3A_2 = arith.constant 0 : i32
    %dma_start3A_3 = tpu.memref_slice %arg2[%arg1, %dma_start3A_2] : memref<16x2048xi32, #tpu.memory_space<hbm>> -> memref<1x2048xi32, #tpu.memory_space<hbm>>
    %dma_start3A_4 = tpu.memref_squeeze %dma_start3A_3 : memref<1x2048xi32, #tpu.memory_space<hbm>> -> memref<2048xi32, #tpu.memory_space<hbm>>
    tpu.enqueue_dma source(%dma_start3A_4 : memref<2048xi32, #tpu.memory_space<hbm>>) target(%arg6 : memref<2048xi32, #tpu.memory_space<vmem>>) target_semaphore(%arg12 : memref<!tpu.dma_semaphore, #tpu.memory_space<semaphore_mem>>)
    %dma_start3A_5 = arith.constant 0 : i32
    %dma_start3A_6 = tpu.memref_slice %arg3[%arg1, %dma_start3A_5] : memref<16x2048xi32, #tpu.memory_space<hbm>> -> memref<1x2048xi32, #tpu.memory_space<hbm>>
    %dma_start3A_7 = tpu.memref_squeeze %dma_start3A_6 : memref<1x2048xi32, #tpu.memory_space<hbm>> -> memref<2048xi32, #tpu.memory_space<hbm>>
    %dma_start3A_8 = arith.constant 0 : i32
    %dma_start3A_9 = tpu.memref_slice %arg3[%arg1, %dma_start3A_8] : memref<16x2048xi32, #tpu.memory_space<hbm>> -> memref<1x2048xi32, #tpu.memory_space<hbm>>
    %dma_start3A_10 = tpu.memref_squeeze %dma_start3A_9 : memref<1x2048xi32, #tpu.memory_space<hbm>> -> memref<2048xi32, #tpu.memory_space<hbm>>
    tpu.enqueue_dma source(%dma_start3A_10 : memref<2048xi32, #tpu.memory_space<hbm>>) target(%arg7 : memref<2048xi32, #tpu.memory_space<vmem>>) target_semaphore(%arg13 : memref<!tpu.dma_semaphore, #tpu.memory_space<semaphore_mem>>)
    %dma_wait3A = arith.constant 0 : i32
    %dma_wait3A_11 = tpu.memref_slice %arg2[%arg1, %dma_wait3A] : memref<16x2048xi32, #tpu.memory_space<hbm>> -> memref<1x2048xi32, #tpu.memory_space<hbm>>
    %dma_wait3A_12 = tpu.memref_squeeze %dma_wait3A_11 : memref<1x2048xi32, #tpu.memory_space<hbm>> -> memref<2048xi32, #tpu.memory_space<hbm>>
    %dma_wait3A_13 = arith.constant 0 : i32
    %dma_wait3A_14 = tpu.memref_slice %arg2[%arg1, %dma_wait3A_13] : memref<16x2048xi32, #tpu.memory_space<hbm>> -> memref<1x2048xi32, #tpu.memory_space<hbm>>
    %dma_wait3A_15 = tpu.memref_squeeze %dma_wait3A_14 : memref<1x2048xi32, #tpu.memory_space<hbm>> -> memref<2048xi32, #tpu.memory_space<hbm>>
    tpu.wait_dma2 semaphore(%arg12 : memref<!tpu.dma_semaphore, #tpu.memory_space<semaphore_mem>>) src(%dma_wait3A_15 : memref<2048xi32, #tpu.memory_space<hbm>>) dst(%arg6 : memref<2048xi32, #tpu.memory_space<vmem>>)
    %dma_wait3A_16 = arith.constant 0 : i32
    %dma_wait3A_17 = tpu.memref_slice %arg3[%arg1, %dma_wait3A_16] : memref<16x2048xi32, #tpu.memory_space<hbm>> -> memref<1x2048xi32, #tpu.memory_space<hbm>>
    %dma_wait3A_18 = tpu.memref_squeeze %dma_wait3A_17 : memref<1x2048xi32, #tpu.memory_space<hbm>> -> memref<2048xi32, #tpu.memory_space<hbm>>
    %dma_wait3A_19 = arith.constant 0 : i32
    %dma_wait3A_20 = tpu.memref_slice %arg3[%arg1, %dma_wait3A_19] : memref<16x2048xi32, #tpu.memory_space<hbm>> -> memref<1x2048xi32, #tpu.memory_space<hbm>>
    %dma_wait3A_21 = tpu.memref_squeeze %dma_wait3A_20 : memref<1x2048xi32, #tpu.memory_space<hbm>> -> memref<2048xi32, #tpu.memory_space<hbm>>
    tpu.wait_dma2 semaphore(%arg13 : memref<!tpu.dma_semaphore, #tpu.memory_space<semaphore_mem>>) src(%dma_wait3A_21 : memref<2048xi32, #tpu.memory_space<hbm>>) dst(%arg7 : memref<2048xi32, #tpu.memory_space<vmem>>)
    %broadcast_in_dim3A = arith.constant 0 : i32
    %broadcast_in_dim3A_22 = vector.broadcast %broadcast_in_dim3A : i32 to vector<16xi32>
    %swap3A = arith.constant 0 : index
    %swap3A_23 = tpu.vector_load %arg11[%swap3A] {strides = array<i32>} : memref<16xi32, #tpu.memory_space<vmem>>, vector<16xi32>,
    %swap3A_24 = vector.shape_cast %swap3A_23 : vector<16xi32> to vector<16xi32>
    %swap3A_25 = vector.shape_cast %broadcast_in_dim3A_22 : vector<16xi32> to vector<16xi32>
    tpu.vector_store %arg11[%swap3A], %swap3A_25 {strides = array<i32>} : memref<16xi32, #tpu.memory_space<vmem>>, vector<16xi32>,
    %scan3A = arith.constant 0 : i32
    %scan3A_26 = arith.constant 0 : i32
    %scan3A_27 = arith.constant 128 : i32
    %scan3A_28 = arith.addi %scan3A_26, %scan3A_27 : i32
    %scan3A_29 = arith.constant 2 : i32
    scf.for %scan3A_141 = %scan3A_26 to %scan3A_28 step %scan3A_29  : i32 {
      %mul3A = arith.constant 16 : i32
      %mul3A_142 = arith.muli %scan3A_141, %mul3A : i32
      %get3A_143 = arith.index_cast %mul3A_142 : i32 to index
      %get3A_144 = tpu.vector_load %arg6[%get3A_143] {strides = array<i32>} : memref<2048xi32, #tpu.memory_space<vmem>>, vector<16xi32>,
      %get3A_145 = vector.shape_cast %get3A_144 : vector<16xi32> to vector<16xi32>
      %get3A_146 = arith.index_cast %mul3A_142 : i32 to index
      %get3A_147 = tpu.vector_load %arg7[%get3A_146] {strides = array<i32>} : memref<2048xi32, #tpu.memory_space<vmem>>, vector<16xi32>,
      %get3A_148 = vector.shape_cast %get3A_147 : vector<16xi32> to vector<16xi32>
      %eq3A = arith.constant 0 : i32
      %eq3A_149 = vector.broadcast %eq3A : i32 to vector<16xi32>
      %eq3A_150 = arith.cmpi eq, %get3A_148, %eq3A_149 : vector<16xi32>
      %ne3A = arith.constant 0 : i32
      %ne3A_151 = vector.broadcast %ne3A : i32 to vector<16xi32>
      %ne3A_152 = arith.cmpi ne, %get3A_145, %ne3A_151 : vector<16xi32>
      %and3A = arith.andi %eq3A_150, %ne3A_152 : vector<16xi1>
      %jit3A = arith.constant 0 : i32
      %broadcast_in_dim3A_153 = vector.broadcast %jit3A : i32 to vector<16xi32>
      %select_n3A = arith.select %and3A, %get3A_145, %broadcast_in_dim3A_153 : vector<16xi1>, vector<16xi32>
      %swap3A_154 = arith.index_cast %mul3A_142 : i32 to index
      %swap3A_155 = tpu.vector_load %arg8[%swap3A_154] {strides = array<i32>} : memref<2048xi32, #tpu.memory_space<vmem>>, vector<16xi32>,
      %swap3A_156 = vector.shape_cast %swap3A_155 : vector<16xi32> to vector<16xi32>
      %swap3A_157 = vector.shape_cast %select_n3A : vector<16xi32> to vector<16xi32>
      tpu.vector_store %arg8[%swap3A_154], %swap3A_157 {strides = array<i32>} : memref<2048xi32, #tpu.memory_space<vmem>>, vector<16xi32>,
      %sub3A = arith.subi %get3A_145, %select_n3A : vector<16xi32>
      %swap3A_158 = arith.index_cast %mul3A_142 : i32 to index
      %swap3A_159 = tpu.vector_load %arg9[%swap3A_158] {strides = array<i32>} : memref<4096xi32, #tpu.memory_space<vmem>>, vector<16xi32>,
      %swap3A_160 = vector.shape_cast %swap3A_159 : vector<16xi32> to vector<16xi32>
      %swap3A_161 = vector.shape_cast %sub3A : vector<16xi32> to vector<16xi32>
      tpu.vector_store %arg9[%swap3A_158], %swap3A_161 {strides = array<i32>} : memref<4096xi32, #tpu.memory_space<vmem>>, vector<16xi32>,
      %add3A_162 = arith.constant 2048 : i32
      %add3A_163 = arith.addi %mul3A_142, %add3A_162 : i32
      %swap3A_164 = arith.index_cast %add3A_163 : i32 to index
      %swap3A_165 = tpu.vector_load %arg9[%swap3A_164] {strides = array<i32>} : memref<4096xi32, #tpu.memory_space<vmem>>, vector<16xi32>,
      %swap3A_166 = vector.shape_cast %swap3A_165 : vector<16xi32> to vector<16xi32>
      %swap3A_167 = vector.shape_cast %sub3A : vector<16xi32> to vector<16xi32>
      tpu.vector_store %arg9[%swap3A_164], %swap3A_167 {strides = array<i32>} : memref<4096xi32, #tpu.memory_space<vmem>>, vector<16xi32>,
      %get3A_168 = arith.constant 0 : index
      %get3A_169 = tpu.vector_load %arg11[%get3A_168] {strides = array<i32>} : memref<16xi32, #tpu.memory_space<vmem>>, vector<16xi32>,
      %get3A_170 = vector.shape_cast %get3A_169 : vector<16xi32> to vector<16xi32>
      %jit3A_171 = arith.constant 1 : i32
      %jit3A_172 = arith.constant 0 : i32
      %broadcast_in_dim3A_173 = vector.broadcast %jit3A_171 : i32 to vector<16xi32>
      %broadcast_in_dim3A_174 = vector.broadcast %jit3A_172 : i32 to vector<16xi32>
      %select_n3A_175 = arith.select %and3A, %broadcast_in_dim3A_173, %broadcast_in_dim3A_174 : vector<16xi1>, vector<16xi32>
      %add3A_176 = arith.addi %get3A_170, %select_n3A_175 : vector<16xi32>
      %swap3A_177 = arith.constant 0 : index
      %swap3A_178 = tpu.vector_load %arg11[%swap3A_177] {strides = array<i32>} : memref<16xi32, #tpu.memory_space<vmem>>, vector<16xi32>,
      %swap3A_179 = vector.shape_cast %swap3A_178 : vector<16xi32> to vector<16xi32>
      %swap3A_180 = vector.shape_cast %add3A_176 : vector<16xi32> to vector<16xi32>
      tpu.vector_store %arg11[%swap3A_177], %swap3A_180 {strides = array<i32>} : memref<16xi32, #tpu.memory_space<vmem>>, vector<16xi32>,
      %scan3A_181 = arith.constant 1 : i32
      %scan3A_182 = arith.addi %scan3A_141, %scan3A_181 : i32
      %mul3A_183 = arith.constant 16 : i32
      %mul3A_184 = arith.muli %scan3A_182, %mul3A_183 : i32
      %get3A_185 = arith.index_cast %mul3A_184 : i32 to index
      %get3A_186 = tpu.vector_load %arg6[%get3A_185] {strides = array<i32>} : memref<2048xi32, #tpu.memory_space<vmem>>, vector<16xi32>,
      %get3A_187 = vector.shape_cast %get3A_186 : vector<16xi32> to vector<16xi32>
      %get3A_188 = arith.index_cast %mul3A_184 : i32 to index
      %get3A_189 = tpu.vector_load %arg7[%get3A_188] {strides = array<i32>} : memref<2048xi32, #tpu.memory_space<vmem>>, vector<16xi32>,
      %get3A_190 = vector.shape_cast %get3A_189 : vector<16xi32> to vector<16xi32>
      %eq3A_191 = arith.constant 0 : i32
      %eq3A_192 = vector.broadcast %eq3A_191 : i32 to vector<16xi32>
      %eq3A_193 = arith.cmpi eq, %get3A_190, %eq3A_192 : vector<16xi32>
      %ne3A_194 = arith.constant 0 : i32
      %ne3A_195 = vector.broadcast %ne3A_194 : i32 to vector<16xi32>
      %ne3A_196 = arith.cmpi ne, %get3A_187, %ne3A_195 : vector<16xi32>
      %and3A_197 = arith.andi %eq3A_193, %ne3A_196 : vector<16xi1>
      %jit3A_198 = arith.constant 0 : i32
      %broadcast_in_dim3A_199 = vector.broadcast %jit3A_198 : i32 to vector<16xi32>
      %select_n3A_200 = arith.select %and3A_197, %get3A_187, %broadcast_in_dim3A_199 : vector<16xi1>, vector<16xi32>
      %swap3A_201 = arith.index_cast %mul3A_184 : i32 to index
      %swap3A_202 = tpu.vector_load %arg8[%swap3A_201] {strides = array<i32>} : memref<2048xi32, #tpu.memory_space<vmem>>, vector<16xi32>,
      %swap3A_203 = vector.shape_cast %swap3A_202 : vector<16xi32> to vector<16xi32>
      %swap3A_204 = vector.shape_cast %select_n3A_200 : vector<16xi32> to vector<16xi32>
      tpu.vector_store %arg8[%swap3A_201], %swap3A_204 {strides = array<i32>} : memref<2048xi32, #tpu.memory_space<vmem>>, vector<16xi32>,
      %sub3A_205 = arith.subi %get3A_187, %select_n3A_200 : vector<16xi32>
      %swap3A_206 = arith.index_cast %mul3A_184 : i32 to index
      %swap3A_207 = tpu.vector_load %arg9[%swap3A_206] {strides = array<i32>} : memref<4096xi32, #tpu.memory_space<vmem>>, vector<16xi32>,
      %swap3A_208 = vector.shape_cast %swap3A_207 : vector<16xi32> to vector<16xi32>
      %swap3A_209 = vector.shape_cast %sub3A_205 : vector<16xi32> to vector<16xi32>
      tpu.vector_store %arg9[%swap3A_206], %swap3A_209 {strides = array<i32>} : memref<4096xi32, #tpu.memory_space<vmem>>, vector<16xi32>,
      %add3A_210 = arith.constant 2048 : i32
      %add3A_211 = arith.addi %mul3A_184, %add3A_210 : i32
      %swap3A_212 = arith.index_cast %add3A_211 : i32 to index
      %swap3A_213 = tpu.vector_load %arg9[%swap3A_212] {strides = array<i32>} : memref<4096xi32, #tpu.memory_space<vmem>>, vector<16xi32>,
      %swap3A_214 = vector.shape_cast %swap3A_213 : vector<16xi32> to vector<16xi32>
      %swap3A_215 = vector.shape_cast %sub3A_205 : vector<16xi32> to vector<16xi32>
      tpu.vector_store %arg9[%swap3A_212], %swap3A_215 {strides = array<i32>} : memref<4096xi32, #tpu.memory_space<vmem>>, vector<16xi32>,
      %get3A_216 = arith.constant 0 : index
      %get3A_217 = tpu.vector_load %arg11[%get3A_216] {strides = array<i32>} : memref<16xi32, #tpu.memory_space<vmem>>, vector<16xi32>,
      %get3A_218 = vector.shape_cast %get3A_217 : vector<16xi32> to vector<16xi32>
      %jit3A_219 = arith.constant 1 : i32
      %jit3A_220 = arith.constant 0 : i32
      %broadcast_in_dim3A_221 = vector.broadcast %jit3A_219 : i32 to vector<16xi32>
      %broadcast_in_dim3A_222 = vector.broadcast %jit3A_220 : i32 to vector<16xi32>
      %select_n3A_223 = arith.select %and3A_197, %broadcast_in_dim3A_221, %broadcast_in_dim3A_222 : vector<16xi1>, vector<16xi32>
      %add3A_224 = arith.addi %get3A_218, %select_n3A_223 : vector<16xi32>
      %swap3A_225 = arith.constant 0 : index
      %swap3A_226 = tpu.vector_load %arg11[%swap3A_225] {strides = array<i32>} : memref<16xi32, #tpu.memory_space<vmem>>, vector<16xi32>,
      %swap3A_227 = vector.shape_cast %swap3A_226 : vector<16xi32> to vector<16xi32>
      %swap3A_228 = vector.shape_cast %add3A_224 : vector<16xi32> to vector<16xi32>
      tpu.vector_store %arg11[%swap3A_225], %swap3A_228 {strides = array<i32>} : memref<16xi32, #tpu.memory_space<vmem>>, vector<16xi32>,
    }
    %scan3A_30 = arith.constant 128 : i32
    %get3A = arith.constant 0 : index
    %get3A_31 = tpu.vector_load %arg11[%get3A] {strides = array<i32>} : memref<16xi32, #tpu.memory_space<vmem>>, vector<16xi32>,
    %get3A_32 = vector.shape_cast %get3A_31 : vector<16xi32> to vector<16xi32>
    %slice3A = vector.extract_strided_slice %get3A_32 {offsets = [0], sizes = [1], strides = [1]} : vector<16xi32> to vector<1xi32>
    %squeeze3A = vector.extract %slice3A[0] : i32 from vector<1xi32>
    %slice3A_33 = vector.extract_strided_slice %get3A_32 {offsets = [1], sizes = [1], strides = [1]} : vector<16xi32> to vector<1xi32>
    %squeeze3A_34 = vector.extract %slice3A_33[0] : i32 from vector<1xi32>
    %add3A = arith.addi %squeeze3A, %squeeze3A_34 : i32
    %slice3A_35 = vector.extract_strided_slice %get3A_32 {offsets = [2], sizes = [1], strides = [1]} : vector<16xi32> to vector<1xi32>
    %squeeze3A_36 = vector.extract %slice3A_35[0] : i32 from vector<1xi32>
    %add3A_37 = arith.addi %add3A, %squeeze3A_36 : i32
    %slice3A_38 = vector.extract_strided_slice %get3A_32 {offsets = [3], sizes = [1], strides = [1]} : vector<16xi32> to vector<1xi32>
    %squeeze3A_39 = vector.extract %slice3A_38[0] : i32 from vector<1xi32>
    %add3A_40 = arith.addi %add3A_37, %squeeze3A_39 : i32
    %slice3A_41 = vector.extract_strided_slice %get3A_32 {offsets = [4], sizes = [1], strides = [1]} : vector<16xi32> to vector<1xi32>
    %squeeze3A_42 = vector.extract %slice3A_41[0] : i32 from vector<1xi32>
    %add3A_43 = arith.addi %add3A_40, %squeeze3A_42 : i32
    %slice3A_44 = vector.extract_strided_slice %get3A_32 {offsets = [5], sizes = [1], strides = [1]} : vector<16xi32> to vector<1xi32>
    %squeeze3A_45 = vector.extract %slice3A_44[0] : i32 from vector<1xi32>
    %add3A_46 = arith.addi %add3A_43, %squeeze3A_45 : i32
    %slice3A_47 = vector.extract_strided_slice %get3A_32 {offsets = [6], sizes = [1], strides = [1]} : vector<16xi32> to vector<1xi32>
    %squeeze3A_48 = vector.extract %slice3A_47[0] : i32 from vector<1xi32>
    %add3A_49 = arith.addi %add3A_46, %squeeze3A_48 : i32
    %slice3A_50 = vector.extract_strided_slice %get3A_32 {offsets = [7], sizes = [1], strides = [1]} : vector<16xi32> to vector<1xi32>
    %squeeze3A_51 = vector.extract %slice3A_50[0] : i32 from vector<1xi32>
    %add3A_52 = arith.addi %add3A_49, %squeeze3A_51 : i32
    %slice3A_53 = vector.extract_strided_slice %get3A_32 {offsets = [8], sizes = [1], strides = [1]} : vector<16xi32> to vector<1xi32>
    %squeeze3A_54 = vector.extract %slice3A_53[0] : i32 from vector<1xi32>
    %add3A_55 = arith.addi %add3A_52, %squeeze3A_54 : i32
    %slice3A_56 = vector.extract_strided_slice %get3A_32 {offsets = [9], sizes = [1], strides = [1]} : vector<16xi32> to vector<1xi32>
    %squeeze3A_57 = vector.extract %slice3A_56[0] : i32 from vector<1xi32>
    %add3A_58 = arith.addi %add3A_55, %squeeze3A_57 : i32
    %slice3A_59 = vector.extract_strided_slice %get3A_32 {offsets = [10], sizes = [1], strides = [1]} : vector<16xi32> to vector<1xi32>
    %squeeze3A_60 = vector.extract %slice3A_59[0] : i32 from vector<1xi32>
    %add3A_61 = arith.addi %add3A_58, %squeeze3A_60 : i32
    %slice3A_62 = vector.extract_strided_slice %get3A_32 {offsets = [11], sizes = [1], strides = [1]} : vector<16xi32> to vector<1xi32>
    %squeeze3A_63 = vector.extract %slice3A_62[0] : i32 from vector<1xi32>
    %add3A_64 = arith.addi %add3A_61, %squeeze3A_63 : i32
    %slice3A_65 = vector.extract_strided_slice %get3A_32 {offsets = [12], sizes = [1], strides = [1]} : vector<16xi32> to vector<1xi32>
    %squeeze3A_66 = vector.extract %slice3A_65[0] : i32 from vector<1xi32>
    %add3A_67 = arith.addi %add3A_64, %squeeze3A_66 : i32
    %slice3A_68 = vector.extract_strided_slice %get3A_32 {offsets = [13], sizes = [1], strides = [1]} : vector<16xi32> to vector<1xi32>
    %squeeze3A_69 = vector.extract %slice3A_68[0] : i32 from vector<1xi32>
    %add3A_70 = arith.addi %add3A_67, %squeeze3A_69 : i32
    %slice3A_71 = vector.extract_strided_slice %get3A_32 {offsets = [14], sizes = [1], strides = [1]} : vector<16xi32> to vector<1xi32>
    %squeeze3A_72 = vector.extract %slice3A_71[0] : i32 from vector<1xi32>
    %add3A_73 = arith.addi %add3A_70, %squeeze3A_72 : i32
    %slice3A_74 = vector.extract_strided_slice %get3A_32 {offsets = [15], sizes = [1], strides = [1]} : vector<16xi32> to vector<1xi32>
    %squeeze3A_75 = vector.extract %slice3A_74[0] : i32 from vector<1xi32>
    %add3A_76 = arith.addi %add3A_73, %squeeze3A_75 : i32
    %dma_start3A_77 = arith.constant 0 : i32
    %dma_start3A_78 = tpu.memref_slice %arg4[%arg1, %dma_start3A_77] : memref<16x2048xi32, #tpu.memory_space<hbm>> -> memref<1x2048xi32, #tpu.memory_space<hbm>>
    %dma_start3A_79 = tpu.memref_squeeze %dma_start3A_78 : memref<1x2048xi32, #tpu.memory_space<hbm>> -> memref<2048xi32, #tpu.memory_space<hbm>>
    %dma_start3A_80 = arith.constant 0 : i32
    %dma_start3A_81 = tpu.memref_slice %arg4[%arg1, %dma_start3A_80] : memref<16x2048xi32, #tpu.memory_space<hbm>> -> memref<1x2048xi32, #tpu.memory_space<hbm>>
    %dma_start3A_82 = tpu.memref_squeeze %dma_start3A_81 : memref<1x2048xi32, #tpu.memory_space<hbm>> -> memref<2048xi32, #tpu.memory_space<hbm>>
    tpu.enqueue_dma source(%arg8 : memref<2048xi32, #tpu.memory_space<vmem>>) target(%dma_start3A_82 : memref<2048xi32, #tpu.memory_space<hbm>>) target_semaphore(%arg12 : memref<!tpu.dma_semaphore, #tpu.memory_space<semaphore_mem>>)
    %scan3A_83 = arith.constant 0 : i32
    %scan3A_84 = arith.constant 0 : i32
    %scan3A_85 = arith.constant 64 : i32
    %scan3A_86 = arith.addi %scan3A_84, %scan3A_85 : i32
    %scan3A_87 = arith.constant 2 : i32
    scf.for %scan3A_141 = %scan3A_84 to %scan3A_86 step %scan3A_87  : i32 {
      %mul3A = arith.constant 16 : i32
      %mul3A_142 = arith.muli %scan3A_141, %mul3A : i32
      %add3A_143 = arith.addi %mul3A_142, %add3A_76 : i32
      %get3A_144 = arith.index_cast %add3A_143 : i32 to index
      %get3A_145 = tpu.vector_load %arg9[%get3A_144] {strides = array<i32>} : memref<4096xi32, #tpu.memory_space<vmem>>, vector<16xi32>,
      %get3A_146 = vector.shape_cast %get3A_145 : vector<16xi32> to vector<16xi32>
      %swap3A_147 = arith.index_cast %mul3A_142 : i32 to index
      %swap3A_148 = tpu.vector_load %arg10[%swap3A_147] {strides = array<i32>} : memref<2048xi32, #tpu.memory_space<vmem>>, vector<16xi32>,
      %swap3A_149 = vector.shape_cast %swap3A_148 : vector<16xi32> to vector<16xi32>
      %swap3A_150 = vector.shape_cast %get3A_146 : vector<16xi32> to vector<16xi32>
      tpu.vector_store %arg10[%swap3A_147], %swap3A_150 {strides = array<i32>} : memref<2048xi32, #tpu.memory_space<vmem>>, vector<16xi32>,
      %scan3A_151 = arith.constant 1 : i32
      %scan3A_152 = arith.addi %scan3A_141, %scan3A_151 : i32
      %mul3A_153 = arith.constant 16 : i32
      %mul3A_154 = arith.muli %scan3A_152, %mul3A_153 : i32
      %add3A_155 = arith.addi %mul3A_154, %add3A_76 : i32
      %get3A_156 = arith.index_cast %add3A_155 : i32 to index
      %get3A_157 = tpu.vector_load %arg9[%get3A_156] {strides = array<i32>} : memref<4096xi32, #tpu.memory_space<vmem>>, vector<16xi32>,
      %get3A_158 = vector.shape_cast %get3A_157 : vector<16xi32> to vector<16xi32>
      %swap3A_159 = arith.index_cast %mul3A_154 : i32 to index
      %swap3A_160 = tpu.vector_load %arg10[%swap3A_159] {strides = array<i32>} : memref<2048xi32, #tpu.memory_space<vmem>>, vector<16xi32>,
      %swap3A_161 = vector.shape_cast %swap3A_160 : vector<16xi32> to vector<16xi32>
      %swap3A_162 = vector.shape_cast %get3A_158 : vector<16xi32> to vector<16xi32>
      tpu.vector_store %arg10[%swap3A_159], %swap3A_162 {strides = array<i32>} : memref<2048xi32, #tpu.memory_space<vmem>>, vector<16xi32>,
    }
    %scan3A_88 = arith.constant 64 : i32
    %dma_start3A_89 = arith.constant 0 : i32
    %dma_start3A_90 = tpu.memref_slice %arg10[%dma_start3A_89] : memref<2048xi32, #tpu.memory_space<vmem>> -> memref<1024xi32, #tpu.memory_space<vmem>>
    %dma_start3A_91 = arith.constant 0 : i32
    %dma_start3A_92 = tpu.memref_slice %arg5[%arg1, %dma_start3A_91] : memref<16x2048xi32, #tpu.memory_space<hbm>> -> memref<1x1024xi32, #tpu.memory_space<hbm>>
    %dma_start3A_93 = tpu.memref_squeeze %dma_start3A_92 : memref<1x1024xi32, #tpu.memory_space<hbm>> -> memref<1024xi32, #tpu.memory_space<hbm>>
    %dma_start3A_94 = arith.constant 0 : i32
    %dma_start3A_95 = tpu.memref_slice %arg5[%arg1, %dma_start3A_94] : memref<16x2048xi32, #tpu.memory_space<hbm>> -> memref<1x1024xi32, #tpu.memory_space<hbm>>
    %dma_start3A_96 = tpu.memref_squeeze %dma_start3A_95 : memref<1x1024xi32, #tpu.memory_space<hbm>> -> memref<1024xi32, #tpu.memory_space<hbm>>
    %dma_start3A_97 = arith.constant 0 : i32
    %dma_start3A_98 = tpu.memref_slice %arg10[%dma_start3A_97] : memref<2048xi32, #tpu.memory_space<vmem>> -> memref<1024xi32, #tpu.memory_space<vmem>>
    tpu.enqueue_dma source(%dma_start3A_98 : memref<1024xi32, #tpu.memory_space<vmem>>) target(%dma_start3A_96 : memref<1024xi32, #tpu.memory_space<hbm>>) target_semaphore(%arg13 : memref<!tpu.dma_semaphore, #tpu.memory_space<semaphore_mem>>)
    %scan3A_99 = arith.constant 0 : i32
    %scan3A_100 = arith.constant 64 : i32
    %scan3A_101 = arith.constant 64 : i32
    %scan3A_102 = arith.addi %scan3A_100, %scan3A_101 : i32
    %scan3A_103 = arith.constant 2 : i32
    scf.for %scan3A_141 = %scan3A_100 to %scan3A_102 step %scan3A_103  : i32 {
      %mul3A = arith.constant 16 : i32
      %mul3A_142 = arith.muli %scan3A_141, %mul3A : i32
      %add3A_143 = arith.addi %mul3A_142, %add3A_76 : i32
      %get3A_144 = arith.index_cast %add3A_143 : i32 to index
      %get3A_145 = tpu.vector_load %arg9[%get3A_144] {strides = array<i32>} : memref<4096xi32, #tpu.memory_space<vmem>>, vector<16xi32>,
      %get3A_146 = vector.shape_cast %get3A_145 : vector<16xi32> to vector<16xi32>
      %swap3A_147 = arith.index_cast %mul3A_142 : i32 to index
      %swap3A_148 = tpu.vector_load %arg10[%swap3A_147] {strides = array<i32>} : memref<2048xi32, #tpu.memory_space<vmem>>, vector<16xi32>,
      %swap3A_149 = vector.shape_cast %swap3A_148 : vector<16xi32> to vector<16xi32>
      %swap3A_150 = vector.shape_cast %get3A_146 : vector<16xi32> to vector<16xi32>
      tpu.vector_store %arg10[%swap3A_147], %swap3A_150 {strides = array<i32>} : memref<2048xi32, #tpu.memory_space<vmem>>, vector<16xi32>,
      %scan3A_151 = arith.constant 1 : i32
      %scan3A_152 = arith.addi %scan3A_141, %scan3A_151 : i32
      %mul3A_153 = arith.constant 16 : i32
      %mul3A_154 = arith.muli %scan3A_152, %mul3A_153 : i32
      %add3A_155 = arith.addi %mul3A_154, %add3A_76 : i32
      %get3A_156 = arith.index_cast %add3A_155 : i32 to index
      %get3A_157 = tpu.vector_load %arg9[%get3A_156] {strides = array<i32>} : memref<4096xi32, #tpu.memory_space<vmem>>, vector<16xi32>,
      %get3A_158 = vector.shape_cast %get3A_157 : vector<16xi32> to vector<16xi32>
      %swap3A_159 = arith.index_cast %mul3A_154 : i32 to index
      %swap3A_160 = tpu.vector_load %arg10[%swap3A_159] {strides = array<i32>} : memref<2048xi32, #tpu.memory_space<vmem>>, vector<16xi32>,
      %swap3A_161 = vector.shape_cast %swap3A_160 : vector<16xi32> to vector<16xi32>
      %swap3A_162 = vector.shape_cast %get3A_158 : vector<16xi32> to vector<16xi32>
      tpu.vector_store %arg10[%swap3A_159], %swap3A_162 {strides = array<i32>} : memref<2048xi32, #tpu.memory_space<vmem>>, vector<16xi32>,
    }
    %scan3A_104 = arith.constant 64 : i32
    %dma_start3A_105 = arith.constant 1024 : i32
    %dma_start3A_106 = tpu.memref_slice %arg10[%dma_start3A_105] : memref<2048xi32, #tpu.memory_space<vmem>> -> memref<1024xi32, #tpu.memory_space<vmem>>
    %dma_start3A_107 = arith.constant 1024 : i32
    %dma_start3A_108 = tpu.memref_slice %arg5[%arg1, %dma_start3A_107] : memref<16x2048xi32, #tpu.memory_space<hbm>> -> memref<1x1024xi32, #tpu.memory_space<hbm>>
    %dma_start3A_109 = tpu.memref_squeeze %dma_start3A_108 : memref<1x1024xi32, #tpu.memory_space<hbm>> -> memref<1024xi32, #tpu.memory_space<hbm>>
    %dma_start3A_110 = arith.constant 1024 : i32
    %dma_start3A_111 = tpu.memref_slice %arg5[%arg1, %dma_start3A_110] : memref<16x2048xi32, #tpu.memory_space<hbm>> -> memref<1x1024xi32, #tpu.memory_space<hbm>>
    %dma_start3A_112 = tpu.memref_squeeze %dma_start3A_111 : memref<1x1024xi32, #tpu.memory_space<hbm>> -> memref<1024xi32, #tpu.memory_space<hbm>>
    %dma_start3A_113 = arith.constant 1024 : i32
    %dma_start3A_114 = tpu.memref_slice %arg10[%dma_start3A_113] : memref<2048xi32, #tpu.memory_space<vmem>> -> memref<1024xi32, #tpu.memory_space<vmem>>
    tpu.enqueue_dma source(%dma_start3A_114 : memref<1024xi32, #tpu.memory_space<vmem>>) target(%dma_start3A_112 : memref<1024xi32, #tpu.memory_space<hbm>>) target_semaphore(%arg13 : memref<!tpu.dma_semaphore, #tpu.memory_space<semaphore_mem>>)
    %dma_wait3A_115 = arith.constant 0 : i32
    %dma_wait3A_116 = tpu.memref_slice %arg10[%dma_wait3A_115] : memref<2048xi32, #tpu.memory_space<vmem>> -> memref<1024xi32, #tpu.memory_space<vmem>>
    %dma_wait3A_117 = arith.constant 0 : i32
    %dma_wait3A_118 = tpu.memref_slice %arg5[%arg1, %dma_wait3A_117] : memref<16x2048xi32, #tpu.memory_space<hbm>> -> memref<1x1024xi32, #tpu.memory_space<hbm>>
    %dma_wait3A_119 = tpu.memref_squeeze %dma_wait3A_118 : memref<1x1024xi32, #tpu.memory_space<hbm>> -> memref<1024xi32, #tpu.memory_space<hbm>>
    %dma_wait3A_120 = arith.constant 0 : i32
    %dma_wait3A_121 = tpu.memref_slice %arg5[%arg1, %dma_wait3A_120] : memref<16x2048xi32, #tpu.memory_space<hbm>> -> memref<1x1024xi32, #tpu.memory_space<hbm>>
    %dma_wait3A_122 = tpu.memref_squeeze %dma_wait3A_121 : memref<1x1024xi32, #tpu.memory_space<hbm>> -> memref<1024xi32, #tpu.memory_space<hbm>>
    %dma_wait3A_123 = arith.constant 0 : i32
    %dma_wait3A_124 = tpu.memref_slice %arg10[%dma_wait3A_123] : memref<2048xi32, #tpu.memory_space<vmem>> -> memref<1024xi32, #tpu.memory_space<vmem>>
    tpu.wait_dma2 semaphore(%arg13 : memref<!tpu.dma_semaphore, #tpu.memory_space<semaphore_mem>>) src(%dma_wait3A_124 : memref<1024xi32, #tpu.memory_space<vmem>>) dst(%dma_wait3A_122 : memref<1024xi32, #tpu.memory_space<hbm>>)
    %dma_wait3A_125 = arith.constant 1024 : i32
    %dma_wait3A_126 = tpu.memref_slice %arg10[%dma_wait3A_125] : memref<2048xi32, #tpu.memory_space<vmem>> -> memref<1024xi32, #tpu.memory_space<vmem>>
    %dma_wait3A_127 = arith.constant 1024 : i32
    %dma_wait3A_128 = tpu.memref_slice %arg5[%arg1, %dma_wait3A_127] : memref<16x2048xi32, #tpu.memory_space<hbm>> -> memref<1x1024xi32, #tpu.memory_space<hbm>>
    %dma_wait3A_129 = tpu.memref_squeeze %dma_wait3A_128 : memref<1x1024xi32, #tpu.memory_space<hbm>> -> memref<1024xi32, #tpu.memory_space<hbm>>
    %dma_wait3A_130 = arith.constant 1024 : i32
    %dma_wait3A_131 = tpu.memref_slice %arg5[%arg1, %dma_wait3A_130] : memref<16x2048xi32, #tpu.memory_space<hbm>> -> memref<1x1024xi32, #tpu.memory_space<hbm>>
    %dma_wait3A_132 = tpu.memref_squeeze %dma_wait3A_131 : memref<1x1024xi32, #tpu.memory_space<hbm>> -> memref<1024xi32, #tpu.memory_space<hbm>>
    %dma_wait3A_133 = arith.constant 1024 : i32
    %dma_wait3A_134 = tpu.memref_slice %arg10[%dma_wait3A_133] : memref<2048xi32, #tpu.memory_space<vmem>> -> memref<1024xi32, #tpu.memory_space<vmem>>
    tpu.wait_dma2 semaphore(%arg13 : memref<!tpu.dma_semaphore, #tpu.memory_space<semaphore_mem>>) src(%dma_wait3A_134 : memref<1024xi32, #tpu.memory_space<vmem>>) dst(%dma_wait3A_132 : memref<1024xi32, #tpu.memory_space<hbm>>)
    %dma_wait3A_135 = arith.constant 0 : i32
    %dma_wait3A_136 = tpu.memref_slice %arg4[%arg1, %dma_wait3A_135] : memref<16x2048xi32, #tpu.memory_space<hbm>> -> memref<1x2048xi32, #tpu.memory_space<hbm>>
    %dma_wait3A_137 = tpu.memref_squeeze %dma_wait3A_136 : memref<1x2048xi32, #tpu.memory_space<hbm>> -> memref<2048xi32, #tpu.memory_space<hbm>>
    %dma_wait3A_138 = arith.constant 0 : i32
    %dma_wait3A_139 = tpu.memref_slice %arg4[%arg1, %dma_wait3A_138] : memref<16x2048xi32, #tpu.memory_space<hbm>> -> memref<1x2048xi32, #tpu.memory_space<hbm>>
    %dma_wait3A_140 = tpu.memref_squeeze %dma_wait3A_139 : memref<1x2048xi32, #tpu.memory_space<hbm>> -> memref<2048xi32, #tpu.memory_space<hbm>>
    tpu.wait_dma2 semaphore(%arg12 : memref<!tpu.dma_semaphore, #tpu.memory_space<semaphore_mem>>) src(%arg8 : memref<2048xi32, #tpu.memory_space<vmem>>) dst(%dma_wait3A_140 : memref<2048xi32, #tpu.memory_space<hbm>>)
    return
  }
}

</mosaic_0001>

<sc_bundles>
// kernel: kernel.3.cloned.1.call-start
scs
__scs_entry_jumppad:
0x0: {  	(pc) =	sbr.rel $0x88, $3  }
0x1: {  	(tag) =	ssettag $0x0;
	lr =	simm.s32 $0x1  }
0x2: {  	[smem:$0x3F9F] =	sst lr;
	_ =	strace $0xD0000000  }
0x3: {  	_ = 	snop  }
0x4: {  	_ = 	snop  }
0x5: {  	_ = 	snop  }
0x6: {  	_ = 	snop  }
0x7: {  	_ = 	snop  }
__scs_overlays_trampoline_lowered:
0x8: {  	[smem:$0x3FAE] =	sst s0  }
0x9: {  	[smem:$0x3FAF] =	sst s1  }
0xa: {  	[smem:$0x3FB0] =	sst s2  }
0xb: {  	[smem:$0x3FB1] =	sst s3  }
0xc: {  	[smem:$0x3FB2] =	sst s4  }
0xd: {  	[smem:$0x3FB3] =	sst s5  }
0xe: {  	[smem:$0x3FB4] =	sst s6  }
0xf: {  	[smem:$0x3FB5] =	sst s7  }
0x10: {  	[smem:$0x3FB6] =	sst s8  }
0x11: {  	[smem:$0x3FB7] =	sst s9;
	s0 =	simm.s32 @!p0 $0x0  }
0x12: {  	s1 =	sld [smem:$0x3F9D];
	s0 =	simm.s32 @p0 $0x1  }
0x13: {  	[smem:$0x3FB8] =	sst s0;
	s0 =	simm.s32 @!p1 $0x0  }
0x14: {  	s2 =	sld [smem:$0x3F9C];
	s0 =	simm.s32 @p1 $0x1  }
0x15: {  	[smem:$0x3FB9] =	sst s0;
	s0 =	simm.s32 @!p2 $0x0  }
0x16: {  	s3 =	sld [smem:$0x3FDB];
	s0 =	simm.s32 @p2 $0x1  }
0x17: {  	s4 =	simm.s32 $0x1BF5;
	[smem:$0x3FBB] =	sst s0  }
0x18: {  	s0 =	sld [smem:$0x3F9E];
	_ =	swait.ge [sflag:s4], $0x0  }
0x19: {  	s7 =	sld [smem:$0x3F9F]  }
0x1a: {  	s8 =	sadd.s32 $0xFFFFE003, lr  }
0x1b: {  	s9 =	sadd.s32 $0xFFFFFEF7, lr;
	s5 =	simm.s32 $0xFFFFFFFF;
	p2 =	slt.u32 s8, $0xFFFFF086  }
0x1c: {  	p1 =	slt.u32 s9, $0xF7A;
	s5 =	simm.s32 @!p2 $0x0  }
0x1d: {  	s5 =	simm.s32 @p1 $0x1;
	p0 =	seq.s32 s7, s2  }
0x1e: {  	s7 =	smul.u32 @!p0 $0xF7A, s2;
	p2 =	seq.s32 @!p0 s5, $0x0  }
0x1f: {  	s9 =	smul.u32 $0xF7A, s1;
	s8 =	simm.s32 @!p0 $0x1BF5;
	p2 =	por !p2, p0  }
0x20: {  	[sflag:s8] =	ssyncset.s32 @!p0 $0xFFFFF086;
	s6 =	sadd.s32 @!p0 s3, s7;
	s7 =	simm.s32 @!p0 $0x108  }
0x21: {  	s3 =	sadd.s32 s3, s9;
	s6 =	sadd.s32 @!p0 $0x88, s6;
	s7 =	simm.s32 @p2 $0x1082  }
0x22: {  	[simem:s7], [sflag:s8] =	dma.local @!p0 [hbm:s6], $0xF7A  }
0x23: {  	s9 =	sor.u32 $0xD0000000, s2;
	s6 =	simm.s32 $0x108;
	_ =	swait.ge @!p0 [sflag:s8], $0x0  }
0x24: {  	s3 =	sadd.s32 $0x88, s3;
	s6 =	simm.s32 @!p1 $0x1082;
	[sflag:s4] =	ssyncset.s32 $0xFFFFF086  }
0x25: {  	[simem:s6], [sflag:s4] =	dma.local [hbm:s3], $0xF7A  }
0x26: {  	[smem:$0x3F9F] =	sst s1;
	(tag) =	ssettag s2;
	_ =	strace s9  }
0x27: {  	s1 =	sld [smem:$0x3FAF]  }
0x28: {  	s2 =	sld [smem:$0x3FB0]  }
0x29: {  	s4 =	sld [smem:$0x3FB2]  }
0x2a: {  	p0 =	seq.s32 s5, $0x0;
	s5 =	sld [smem:$0x3FB3]  }
0x2b: {  	s6 =	sld [smem:$0x3FB4]  }
0x2c: {  	s7 =	sld [smem:$0x3FB5]  }
0x2d: {  	s3 =	simm.s32 $0x108;
	s8 =	sld [smem:$0x3FB6]  }
0x2e: {  	s3 =	simm.s32 @!p0 $0x1082;
	s9 =	sld [smem:$0x3FB7]  }
0x2f: {  	lr =	sadd.s32 s0, s3;
	s0 =	sld [smem:$0x3FAE]  }
0x30: {  	s3 =	sld [smem:$0x3FB1]  }
0x31: {  	[smem:$0x3FBA] =	sst s10  }
0x32: {  	s10 =	sld [smem:$0x3FB8];
	_ =	sdelay $0x3  }
0x33: {  	p0 =	seq.s32 s10, $0x1;
	s10 =	sld [smem:$0x3FBA];
	_ =	sdelay $0x3  }
0x34: {  	[smem:$0x3FBA] =	sst s10  }
0x35: {  	s10 =	sld [smem:$0x3FB9];
	_ =	sdelay $0x3  }
0x36: {  	p1 =	seq.s32 s10, $0x1;
	s10 =	sld [smem:$0x3FBA];
	_ =	sdelay $0x3  }
0x37: {  	[smem:$0x3FBA] =	sst s10  }
0x38: {  	s10 =	sld [smem:$0x3FBB]  }
0x39: {  	_ = 	snop;
	(pc) =	sbr.ind lr, $3  }
0x3a: {  	_ = 	snop  }
0x3b: {  	_ = 	snop  }
0x3c: {  	p2 =	seq.s32 s10, $0x1;
	s10 =	sld [smem:$0x3FBA]  }
0x3d: {  	_ =	shalt  }
0x3e: {  	_ =	shalt  }
0x3f: {  	_ =	shalt  }
0x40: {  	_ =	shalt  }
0x41: {  	_ =	shalt  }
0x42: {  	_ =	shalt  }
0x43: {  	_ =	shalt  }
0x44: {  	_ =	shalt  }
0x45: {  	_ =	shalt  }
0x46: {  	_ =	shalt  }
0x47: {  	_ =	shalt  }
0x48: {  	_ =	shalt  }
0x49: {  	_ =	shalt  }
0x4a: {  	_ =	shalt  }
0x4b: {  	_ =	shalt  }
0x4c: {  	_ =	shalt  }
0x4d: {  	_ =	shalt  }
0x4e: {  	_ =	shalt  }
0x4f: {  	_ =	shalt  }
0x50: {  	_ =	shalt  }
0x51: {  	_ =	shalt  }
0x52: {  	_ =	shalt  }
0x53: {  	_ =	shalt  }
0x54: {  	_ =	shalt  }
0x55: {  	_ =	shalt  }
0x56: {  	_ =	shalt  }
0x57: {  	_ =	shalt  }
0x58: {  	_ =	shalt  }
0x59: {  	_ =	shalt  }
0x5a: {  	_ =	shalt  }
0x5b: {  	_ =	shalt  }
0x5c: {  	_ =	shalt  }
0x5d: {  	_ =	shalt  }
0x5e: {  	_ =	shalt  }
0x5f: {  	_ =	shalt  }
0x60: {  	_ =	shalt  }
0x61: {  	_ =	shalt  }
0x62: {  	_ =	shalt  }
0x63: {  	_ =	shalt  }
0x64: {  	_ =	shalt  }
0x65: {  	_ =	shalt  }
0x66: {  	_ =	shalt  }
0x67: {  	_ =	shalt  }
0x68: {  	_ =	shalt  }
0x69: {  	_ =	shalt  }
0x6a: {  	_ =	shalt  }
0x6b: {  	_ =	shalt  }
0x6c: {  	_ =	shalt  }
0x6d: {  	_ =	shalt  }
0x6e: {  	_ =	shalt  }
0x6f: {  	_ =	shalt  }
0x70: {  	_ =	shalt  }
0x71: {  	_ =	shalt  }
0x72: {  	_ =	shalt  }
0x73: {  	_ =	shalt  }
0x74: {  	_ =	shalt  }
0x75: {  	_ =	shalt  }
0x76: {  	_ =	shalt  }
0x77: {  	_ =	shalt  }
0x78: {  	_ =	shalt  }
0x79: {  	_ =	shalt  }
0x7a: {  	_ =	shalt  }
0x7b: {  	_ =	shalt  }
0x7c: {  	_ =	shalt  }
0x7d: {  	_ =	shalt  }
0x7e: {  	_ =	shalt  }
0x7f: {  	_ =	shalt  }
0x80: {  	_ =	shalt  }
0x81: {  	_ =	shalt  }
0x82: {  	_ =	shalt  }
0x83: {  	_ =	shalt  }
0x84: {  	_ =	shalt  }
0x85: {  	_ =	shalt  }
0x86: {  	_ =	shalt  }
0x87: {  	_ =	shalt  }
.Lfunc_end0:
.L_simem_size_0:
called_computation_lowered:
.L_overlay_start_0:
0x88: {  	s0 =	sld [smem:$0x3FD9]  }
0x89: {  	s1 =	sld [smem:$0x3FFE];
	_ =	sdelay $0x3  }
0x8a: {  	s0 =	sadd.s32 s1, s0  }
0x8b: {  	[smem:$0x3FC6] =	sst s0  }
0x8c: {  	_ = 	snop  }
0x8d: {  	s0 =	sld [smem:$0x3FD0];
	_ =	sdelay $0x1  }
0x8e: {  	s14 =	sld [smem:$0x3FC9]  }
0x8f: {  	s3 =	simm.s32 $0xA;
	s4 =	simm.s32 $0x10;
	s2 =	sld [smem:$0x3FC8]  }
0x90: {  	[smem:s4], [sflag:s3] =	dma.local [hbm:s0], $0x1  }
0x91: {  	_ =	swait.eq [sflag:s3], $0x1  }
0x92: {  	[sflag:s3] =	ssyncset.done $0x0  }
0x93: {  	s15 =	sld [smem:$0x10];
	[sflag:s3] =	ssyncadd.s32 $0xFFFFFFFF  }
0x94: {  	s16 =	sld [smem:$0x11];
	(tm) =	ssettm $0x1  }
0x95: {  	s17 =	sld [smem:$0x3FFB];
	_ =	sdelay $0x3  }
0x96: {  	_ =	strace s17  }
0x97: {  	s4 =	sld [smem:$0x3FFC];
	_ =	sdelay $0x3  }
0x98: {  	_ =	strace s4  }
0x99: {  	s4 =	sld [smem:$0x3FFD];
	_ =	sdelay $0x3  }
0x9a: {  	_ =	strace s4  }
0x9b: {  	_ =	strace $0x8FFFFFFF  }
0x9c: {  	s18 =	sld [smem:$0x3FDB];
	_ =	sdelay $0x1  }
0x9d: {  	s5 =	simm.s32 $_scs_section_size  }
0x9e: {  	s6 =	simm.s32 $_size__tile_overlayer_lowered;
	s7 =	simm.s32 $_tile_overlayer_lowered  }
0x9f: {  	s21 =	simm.s32 $0x1BFF;
	s20 =	sshll.u32 s7, $0x1;
	s4 =	sadd.s32 s5, s18  }
0xa0: {  	s8 =	simm.s32 $0x0;
	s19 =	sshll.u32 s6, $0x1;
	s6 =	sadd.s32 s20, s4  }
0xa1: {  	[timem:s8], [sflag:s21] =	dma.local [hbm:s6], s19  }
0xa2: {  	_ =	swait.ge [sflag:s21], s19  }
0xa3: {  	s5 =	ssub.s32 $0x0, s19;
	[sflag:s21] =	ssyncset.done $0x0  }
0xa4: {  	[sflag:s21] =	ssyncadd.s32 s5;
	_ =	sdelay $0x1  }
0xa5: {  	s22 =	simm.s32 $0x1B8B  }
0xa6: {  	_ =	swait.ge [sflag:s22], $0x1  }
0xa7: {  	[sflag:s22] =	ssyncset.done $0x0  }
0xa8: {  	s23 =	simm.s32 $0x1B8E;
	[sflag:s22] =	ssyncadd.s32 $0xFFFFFFFF  }
0xa9: {  	s24 =	simm.s32 $execute0_lowered;
	[smem:$0x3FD2] =	sst s23  }
0xaa: {  	s5 =	sshll.u32 s24, $0x1;
	_ =	strace $0x80000046;
	[dreg:$0x1] =	wrdreg $0xFFFFFFFF  }
0xab: {  	s25 =	simm.s32 $_size_execute0_lowered;
	s4 =	sadd.s32 s4, s5;
	[dreg:$0x0] =	wrdreg $0x0  }
0xac: {  	s5 =	sshll.u32 s25, $0x1;
	[dreg:$0x2] =	wrdreg s4  }
0xad: {  	[dreg:$0x3] =	wrdreg s5  }
0xae: {  	[dreg:$0x4] =	wrdreg $0xC0  }
0xaf: {  	_ =	task [dreg:s8], $0x5FFFF  }
0xb0: {  	[dreg:$0x1] =	wrdreg $0xFFFFFFFF  }
0xb1: {  	[dreg:$0x0] =	wrdreg $0x60  }
0xb2: {  	[dreg:$0x2] =	wrdreg s14  }
0xb3: {  	[dreg:$0x3] =	wrdreg s2  }
0xb4: {  	[dreg:$0x4] =	wrdreg s15  }
0xb5: {  	[dreg:$0x5] =	wrdreg s16  }
0xb6: {  	[dreg:$0x6] =	wrdreg $0x9  }
0xb7: {  	_ =	task.clear_ibuf [dreg:s8], $0x7FFFF;
	_ =	strace $0x90000046  }
0xb8: {  	s26 =	simm.s32 $0x9;
	_ =	strace $0x80000048  }
0xb9: {  	_ =	swait.ge [sflag:s26], $0x1  }
0xba: {  	[sflag:s26] =	ssyncadd.s32 $0xFFFFFFFF  }
0xbb: {  	_ =	strace $0x90000048  }
0xbc: {  	_ =	sfence  }
0xbd: {  	s28 =	sld [smem:$0x0];
	_ =	sdelay $0x1  }
0xbe: {  	s29 =	srdreg.scid  }
0xbf: {  	s30 =	sshll.u32 s29, $0xD;
	s31 =	sshrl.u32 s29, $0x2  }
0xc0: {  	s1 =	sand.u32 $0x1, s29;
	s2 =	sand.u32 $0x4000, s30;
	s0 =	sadd.s32 s31, s28  }
0xc1: {  	s1 =	sor.u32 s2, s1;
	s0 =	sshll.u32 s0, $0x11  }
0xc2: {  	s0 =	sor.u32 s0, s1  }
0xc3: {  	s0 =	sadd.s32 $0x8F2B, s0  }
0xc4: {  	[sflag:s0] =	ssyncadd.remote.s32 $0x1  }
0xc5: {  	_ =	sfence.sel $0xFFFF  }
0xc6: {  	[dreg:$0x0] =	wrdreg $0xFFFFFFFF;
	(pc) =	sbr.abs _section_cstart, $3  }
0xc7: {  	[dreg:$0x1] =	wrdreg $0xFFFFFFFF  }
0xc8: {  	_ =	task.clear_ibuf [dreg:s8], $0x2FFFF;
	_ =	strace $0x9FFFFFFF  }
0xc9: {  	(tm) =	ssettm $0x7FFFFFFF  }
tec
execute0_lowered:
.L_overlay_start_1:
0x0: {  	(tag) =	ssettag $0x1  }
0x1: {  	s5 =	rddreg [dreg:$0x0]  }
0x2: {  	s6 =	rddreg [dreg:$0x1]  }
0x3: {  	s4 =	rddreg [dreg:$0x2];
	s1 =	stileid.u32  }
0x4: {  	s2 =	rddreg [dreg:$0x3];
	s3 =	sshll.u32 s1, $0x8;
	s8 =	sshll.u32 s1, $0x4  }
0x5: {  	s0 =	rddreg [dreg:$0x4];
	s7 =	simm.s32 $0x0;
	s3 =	sor.u32 s8, s3  }
0x6: {  	s24 =	simm.s32 $0x80;
	[smem:$0x7FF] =	sst s7;
	s3 =	sand.u32 $0x870, s3  }
0x7: {  	s9 =	simm.s32 $0x400;
	_ =	strace $0x80000047;
	s5 =	sadd.s32 s5, s3  }
0x8: {  	[tilespmem:s7], [sflag:$0x1] =	stream.strided.gather [hbm4b:s5+s24], $0x800, s9, s24, $0x38;
	[tilespmem:$0x3080] =	vst v63  }
0x9: {  	s26 =	simm.s32 $0x800;
	s28 =	simm.s32 $0x1;
	s25 =	sadd.s32 s6, s3  }
0xa: {  	[tilespmem:s26], [sflag:$0x2] =	stream.strided.gather [hbm4b:s25+s24], $0x800, s9, s24, $0x38;
	[tilespmem:$0x3080] =	vst v63  }
0xb: {  	_ =	swait.ge [sflag:s28], $0x800  }
0xc: {  	[sflag:s28] =	ssyncset.done $0x0  }
0xd: {  	s29 =	simm.s32 $0x2;
	[sflag:s28] =	ssyncadd.s32 $0xFFFFF800  }
0xe: {  	_ =	swait.ge [sflag:s29], $0x800  }
0xf: {  	[sflag:s29] =	ssyncset.done $0x0  }
0x10: {  	v0 =	vimm.s32 $0x0;
	[sflag:s29] =	ssyncadd.s32 $0xFFFFF800  }
0x11: {  	s5 =	simm.s32 $0x810;
	[tilespmem:$0x3000] =	vst v0  }
0x12: {  	s30 =	simm.s32 $0x10;
	v1 =	vld [tilespmem:s5+$0xFFFFFFF0]  }
0x13: {  	v2 =	vld [tilespmem:s30+$0xFFFFFFF0];
	_ =	sdelay $0x3  }
0x14: {  	vm0 =	veq.s32 v1, $0x0  }
0x15: {  	s31 =	simm.s32 $0x1010;
	v1 =	vnsel vm0, $0x0, v2  }
0x16: {  	s6 =	simm.s32 $0x1800;
	[tilespmem:s31+$0xFFFFFFF0] =	vst v1;
	v1 =	vsub.s32 v2, v1  }
0x17: {  	s7 =	sand.u32 $0x7E0, s7;
	[tilespmem:s6+$0x0] =	vst v1  }
0x18: {  	[tilespmem:s7+$0x2000] =	vst v1  }
0x19: {  	v1 =	vld [tilespmem:$0x3000];
	_ =	sdelay $0x1  }
0x1a: {  	vm1 =	vne.s32 v2, $0x0  }
0x1b: {  	vm0 =	vmand vm1, vm0  }
0x1c: {  	v2 =	vsel vm0, $0x1, v0  }
0x1d: {  	v1 =	vadd.s32 v2, v1  }
0x1e: {  	[tilespmem:$0x3000] =	vst v1  }
0x1f: {  	v1 =	vld [tilespmem:s5+$0x0]  }
0x20: {  	v2 =	vld [tilespmem:s30+$0x0];
	_ =	sdelay $0x3  }
0x21: {  	vm14 =	veq.s32 v1, $0x0  }
0x22: {  	v1 =	vnsel vm14, $0x0, v2  }
0x23: {  	[tilespmem:s31+$0x0] =	vst v1;
	v1 =	vsub.s32 v2, v1  }
0x24: {  	[tilespmem:s6+$0x10] =	vst v1  }
0x25: {  	[tilespmem:s6+$0x810] =	vst v1  }
0x26: {  	v1 =	vld [tilespmem:$0x3000];
	_ =	sdelay $0x1  }
0x27: {  	vm15 =	vne.s32 v2, $0x0  }
0x28: {  	s10 =	simm.s32 $0x20;
	vm0 =	vmand vm15, vm14  }
0x29: {  	s8 =	simm.s32 $0x1030;
	s9 =	simm.s32 $0x30;
	s7 =	simm.s32 $0x0;
	v2 =	vsel vm0, $0x1, v0  }
.LBB2_1:
0x2a: {  	s7 =	sadd.s32 $0x2, s7;
	v1 =	vadd.s32 v2, v1;
	s6 =	sadd.s32 $0x20, s6;
	s5 =	sadd.s32 $0x20, s5  }
0x2b: {  	p0 =	slt.u32 s7, $0x7E;
	[tilespmem:$0x3000] =	vst v1  }
0x2c: {  	v1 =	vld [tilespmem:s5+$0xFFFFFFF0]  }
0x2d: {  	v2 =	vld [tilespmem:s9+$0xFFFFFFF0];
	_ =	sdelay $0x3  }
0x2e: {  	vm0 =	veq.s32 v1, $0x0  }
0x2f: {  	vm1 =	vne.s32 v2, $0x0;
	v1 =	vnsel vm0, $0x0, v2  }
0x30: {  	vm0 =	vmand vm1, vm0;
	[tilespmem:s8+$0xFFFFFFF0] =	vst v1;
	v1 =	vsub.s32 v2, v1  }
0x31: {  	s11 =	sand.u32 $0x7E0, s10;
	[tilespmem:s6+$0x0] =	vst v1  }
0x32: {  	[tilespmem:s11+$0x2000] =	vst v1  }
0x33: {  	v1 =	vld [tilespmem:$0x3000];
	_ =	sdelay $0x3  }
0x34: {  	v2 =	vsel vm0, $0x1, v0  }
0x35: {  	v1 =	vadd.s32 v2, v1  }
0x36: {  	[tilespmem:$0x3000] =	vst v1  }
0x37: {  	v1 =	vld [tilespmem:s5+$0x0]  }
0x38: {  	v2 =	vld [tilespmem:s9+$0x0];
	_ =	sdelay $0x3  }
0x39: {  	vm0 =	veq.s32 v1, $0x0  }
0x3a: {  	vm1 =	vne.s32 v2, $0x0;
	v1 =	vnsel vm0, $0x0, v2  }
0x3b: {  	vm0 =	vmand vm1, vm0;
	[tilespmem:s8+$0x0] =	vst v1;
	v1 =	vsub.s32 v2, v1  }
0x3c: {  	[tilespmem:s6+$0x10] =	vst v1  }
0x3d: {  	[tilespmem:s6+$0x810] =	vst v1  }
.Ltmp0:
0x3e: {  	v1 =	vld [tilespmem:$0x3000];
	(pc) =	sbr.rel @p0 .LBB2_1-.Ltmp0, $3  }
0x3f: {  	_ =	sdelay $0x1  }
0x40: {  	v2 =	vsel vm0, $0x1, v0  }
0x41: {  	s10 =	sadd.s32 $0x20, s10;
	s9 =	sadd.s32 $0x20, s9;
	s8 =	sadd.s32 $0x20, s8  }
0x42: {  	v0 =	vadd.s32 v2, v1  }
0x43: {  	(v2sf) =	vpush v0, $0x0  }
0x44: {  	(v2sf) =	vpush v0, $0x1  }
0x45: {  	(v2sf) =	vpush v0, $0x2  }
0x46: {  	(v2sf) =	vpush v0, $0x3  }
0x47: {  	(v2sf) =	vpush v0, $0x4  }
0x48: {  	(v2sf) =	vpush v0, $0x5  }
0x49: {  	(v2sf) =	vpush v0, $0x6  }
0x4a: {  	(v2sf) =	vpush v0, $0x7  }
0x4b: {  	(v2sf) =	vpush v0, $0x8  }
0x4c: {  	(v2sf) =	vpush v0, $0x9  }
0x4d: {  	(v2sf) =	vpush v0, $0xA  }
0x4e: {  	(v2sf) =	vpush v0, $0xB  }
0x4f: {  	s4 =	sadd.s32 s4, s3;
	(v2sf) =	vpush v0, $0xC  }
0x50: {  	s21 =	simm.s32 $0x80;
	s22 =	simm.s32 $0x400;
	s23 =	simm.s32 $0x1000;
	[tilespmem:$0x3000] =	vst v0;
	(v2sf) =	vpush v0, $0xD  }
0x51: {  	[hbm4b:s4+s21] =	stream.strided.scatter [tilespmem:s23], [sflag:$0x1], $0x800, s22, s21, $0x38;
	(v2sf) =	vpush v0, $0xE;
	[tilespmem:$0x3080] =	vst v63  }
0x52: {  	s5 =	spop (v2sf);
	(v2sf) =	vpush v0, $0xF  }
0x53: {  	s6 =	spop (v2sf)  }
0x54: {  	s7 =	spop (v2sf)  }
0x55: {  	s8 =	spop (v2sf)  }
0x56: {  	s9 =	spop (v2sf)  }
0x57: {  	s10 =	spop (v2sf)  }
0x58: {  	s11 =	spop (v2sf)  }
0x59: {  	s12 =	spop (v2sf)  }
0x5a: {  	s13 =	spop (v2sf)  }
0x5b: {  	s14 =	spop (v2sf)  }
0x5c: {  	s15 =	spop (v2sf)  }
0x5d: {  	s16 =	spop (v2sf)  }
0x5e: {  	s17 =	spop (v2sf)  }
0x5f: {  	s18 =	spop (v2sf)  }
0x60: {  	s19 =	spop (v2sf)  }
0x61: {  	s20 =	spop (v2sf)  }
0x62: {  	s19 =	sshll.u32 s19, $0x2;
	s30 =	sshll.u32 s20, $0x2  }
0x63: {  	s18 =	sshll.u32 s18, $0x2;
	s4 =	sadd.s32 s19, s30  }
0x64: {  	s17 =	sshll.u32 s17, $0x2;
	s4 =	sadd.s32 s18, s4  }
0x65: {  	s16 =	sshll.u32 s16, $0x2;
	s4 =	sadd.s32 s17, s4  }
0x66: {  	s15 =	sshll.u32 s15, $0x2;
	s4 =	sadd.s32 s16, s4  }
0x67: {  	s14 =	sshll.u32 s14, $0x2;
	s4 =	sadd.s32 s15, s4  }
0x68: {  	s13 =	sshll.u32 s13, $0x2;
	s4 =	sadd.s32 s14, s4  }
0x69: {  	s12 =	sshll.u32 s12, $0x2;
	s4 =	sadd.s32 s13, s4  }
0x6a: {  	s11 =	sshll.u32 s11, $0x2;
	s4 =	sadd.s32 s12, s4  }
0x6b: {  	s10 =	sshll.u32 s10, $0x2;
	s4 =	sadd.s32 s11, s4  }
0x6c: {  	s9 =	sshll.u32 s9, $0x2;
	s4 =	sadd.s32 s10, s4  }
0x6d: {  	s8 =	sshll.u32 s8, $0x2;
	s4 =	sadd.s32 s9, s4  }
0x6e: {  	s7 =	sshll.u32 s7, $0x2;
	s4 =	sadd.s32 s8, s4  }
0x6f: {  	s6 =	sshll.u32 s6, $0x2;
	s4 =	sadd.s32 s7, s4  }
0x70: {  	s5 =	sshll.u32 s5, $0x2;
	s4 =	sadd.s32 s6, s4  }
0x71: {  	s4 =	sadd.s32 s5, s4  }
0x72: {  	s5 =	sadd.s32 $0x40, s4  }
0x73: {  	s5 =	sshra.s32 s5, $0x2  }
0x74: {  	s31 =	sadd.s32 $0x1800, s5  }
0x75: {  	v0 =	vld [tilespmem:s31+$0xFFFFFFF0];
	_ =	sdelay $0x3  }
0x76: {  	s5 =	simm.s32 $0x2810  }
0x77: {  	[tilespmem:s5+$0xFFFFFFF0] =	vst v0  }
0x78: {  	v0 =	vld [tilespmem:s31+$0x0];
	_ =	sdelay $0x4  }
0x79: {  	s6 =	simm.s32 $0x0;
	s7 =	sadd.s32 $0x20, s31;
	[tilespmem:s5+$0x0] =	vst v0  }
.LBB2_3:
0x7a: {  	v0 =	vld [tilespmem:s7+$0xFFFFFFF0];
	s6 =	sadd.s32 $0x2, s6  }
0x7b: {  	p0 =	slt.u32 s6, $0x3E;
	_ =	sdelay $0x2  }
0x7c: {  	s5 =	sadd.s32 $0x20, s5  }
0x7d: {  	[tilespmem:s5+$0xFFFFFFF0] =	vst v0  }
0x7e: {  	v0 =	vld [tilespmem:s7+$0x0]  }
.Ltmp1:
0x7f: {  	(pc) =	sbr.rel @p0 .LBB2_3-.Ltmp1, $2  }
0x80: {  	_ =	sdelay $0x2  }
0x81: {  	s7 =	sadd.s32 $0x20, s7;
	[tilespmem:s5+$0x0] =	vst v0  }
0x82: {  	s5 =	sadd.s32 s2, s3;
	s6 =	simm.s32 $0x80  }
0x83: {  	s7 =	simm.s32 $0x400;
	s8 =	simm.s32 $0x2800;
	s4 =	sadd.s32 $0x1040, s4  }
0x84: {  	[hbm4b:s5+s6] =	stream.strided.scatter [tilespmem:s8], [sflag:$0x2], $0x400, s7, s6, $0x38;
	[tilespmem:$0x3080] =	vst v63  }
0x85: {  	s4 =	sshra.s32 s4, $0x2  }
0x86: {  	s31 =	sadd.s32 $0x1800, s4  }
0x87: {  	v0 =	vld [tilespmem:s31+$0xFFFFFFF0];
	_ =	sdelay $0x3  }
0x88: {  	s4 =	simm.s32 $0x2C10  }
0x89: {  	[tilespmem:s4+$0xFFFFFFF0] =	vst v0  }
0x8a: {  	v0 =	vld [tilespmem:s31+$0x0];
	_ =	sdelay $0x4  }
0x8b: {  	s5 =	simm.s32 $0x40;
	s6 =	sadd.s32 $0x20, s31;
	[tilespmem:s4+$0x0] =	vst v0  }
.LBB2_5:
0x8c: {  	v0 =	vld [tilespmem:s6+$0xFFFFFFF0];
	s5 =	sadd.s32 $0x2, s5  }
0x8d: {  	p0 =	slt.u32 s5, $0x7E;
	_ =	sdelay $0x2  }
0x8e: {  	s4 =	sadd.s32 $0x20, s4  }
0x8f: {  	[tilespmem:s4+$0xFFFFFFF0] =	vst v0  }
0x90: {  	v0 =	vld [tilespmem:s6+$0x0]  }
.Ltmp2:
0x91: {  	(pc) =	sbr.rel @p0 .LBB2_5-.Ltmp2, $2  }
0x92: {  	_ =	sdelay $0x2  }
0x93: {  	s6 =	sadd.s32 $0x20, s6;
	[tilespmem:s4+$0x0] =	vst v0  }
0x94: {  	s2 =	sadd.s32 s3, s2;
	s29 =	simm.s32 $0x80;
	s4 =	simm.s32 $0x400  }
0x95: {  	s5 =	simm.s32 $0x2C00;
	s30 =	simm.s32 $0x2;
	s2 =	sadd.s32 $0x400, s2  }
0x96: {  	[hbm4b:s2+s29] =	stream.strided.scatter [tilespmem:s5], [sflag:$0x2], $0x400, s4, s29, $0x38;
	[tilespmem:$0x3080] =	vst v63  }
0x97: {  	_ =	swait.ge [sflag:s30], $0x400  }
0x98: {  	[sflag:s30] =	ssyncset.done $0x0  }
0x99: {  	[sflag:s30] =	ssyncadd.s32 $0xFFFFFC00  }
0x9a: {  	_ =	swait.ge [sflag:s30], $0x400  }
0x9b: {  	[sflag:s30] =	ssyncset.done $0x0  }
0x9c: {  	s31 =	simm.s32 $0x1;
	[sflag:s30] =	ssyncadd.s32 $0xFFFFFC00  }
0x9d: {  	_ =	swait.ge [sflag:s31], $0x800  }
0x9e: {  	[sflag:s31] =	ssyncset.done $0x0  }
0x9f: {  	[sflag:s31] =	ssyncadd.s32 $0xFFFFF800  }
0xa0: {  	_ =	sfence.sel $0x180000  }
0xa1: {  	[bflag:$0x0] =	sbarrier.arrive $0xFFFF  }
0xa2: {  	p0 =	sne.s32 s1, $0x0;
	_ =	strace $0x90000047  }
0xa3: {  	s0 =	sadd.s32 @!p0 $0x100000, s0;
	[bflag:$0x2] =	sbarrier.arrive $0xFFFF  }
0xa4: {  	[sflag:s0] =	ssyncadd.tile.s32 @!p0 $0x1;
	_ =	shalt  }
.Lfunc_end2:
_tile_overlayer_lowered:
.L_overlay_start_2:
0xa5: {  	(tag) =	ssettag $0x2  }
0xa6: {  	s0 =	rddreg [dreg:$0x0];
	s2 =	stileid.u32  }
0xa7: {  	s1 =	rddreg [dreg:$0x1];
	p0 =	sne.s32 s2, $0x0  }
0xa8: {  	s3 =	rddreg [dreg:$0x2];
	[bflag:$0x3] =	sbarrier.arrive $0xFFFF;
	s2 =	simm.s32 @!p0 $0x1C03  }
0xa9: {  	[timem:s3], [sflag:s2] =	dma.local @!p0 [hbm:s0], s1  }
0xaa: {  	s0 =	simm.s32 @!p0 $0x3  }
0xab: {  	_ =	swait.ge @!p0 [sflag:s0], s1  }
0xac: {  	s1 =	ssub.s32 @!p0 $0x0, s1;
	[sflag:s0] =	ssyncset.done @!p0 $0x0  }
0xad: {  	[sflag:s0] =	ssyncadd.s32 @!p0 s1  }
0xae: {  	[bflag:$0x3] =	sbarrier.arrive $0xFFFF  }
0xaf: {  	_ =	shalt  }

</sc_bundles>
